<compile_context>
chip_gen: v7x
topology: tpu7x:2x2x1
jax: 0.10.2.dev20260603
libtpu: 0.0.44.dev20260713+nightly
codegen_flags: <defaults>
</compile_context>

<pallas_src>
import functools

import jax
import jax.numpy as jnp
from jax import lax
from jax.experimental import pallas as pl
from jax.experimental.pallas import tpu as pltpu, tpu_sc as plsc

N = 10_000_000
CHUNK = 8_000
WORDS = CHUNK // 4
NCHUNKS = N // CHUNK
NC, NS = 2, 16
NW = NC * NS
MAXC = (NCHUNKS + NW - 1) // NW

_mesh = plsc.VectorSubcoreMesh(core_axis_name="c", subcore_axis_name="s")


@functools.partial(
    pl.kernel,
    out_type=jax.ShapeDtypeStruct((N,), jnp.int32),
    mesh=_mesh,
    scratch_types=[pltpu.VMEM((WORDS,), jnp.int32),
                   pltpu.VMEM((CHUNK,), jnp.int32)],
    compiler_params=pltpu.CompilerParams(needs_layout_passes=False),
)
def _widen_counts_sc(words_in, out_cnt_hbm, wbuf, cbuf):
    wid = lax.axis_index("s") * NC + lax.axis_index("c")
    lane4 = lax.iota(jnp.int32, 16) * 4

    def chunk_body(i, carry):
        c = wid + NW * i

        @pl.when(c < NCHUNKS)
        def _():
            pltpu.sync_copy(words_in.at[pl.ds(c * WORDS, WORDS)], wbuf)

            def vec_body(k, carry2):
                w = wbuf[pl.ds(k * 16, 16)]
                o = lane4 + k * 64
                for j in range(4):
                    plsc.store_scatter(cbuf, [o + j], (w >> (8 * j)) & 1)
                return carry2

            lax.fori_loop(0, WORDS // 16, vec_body, 0)
            pltpu.sync_copy(cbuf, out_cnt_hbm.at[pl.ds(c * CHUNK, CHUNK)])

        return carry

    lax.fori_loop(0, MAXC, chunk_body, 0)


def kernel(spikes, refractory_count):
    del refractory_count
    words = lax.bitcast_convert_type(
        spikes.astype(jnp.uint8).reshape(N // 4, 4), jnp.int32)
    new_count = _widen_counts_sc(words)
    return spikes, new_count

# --- scband reference (transcript-rebuilt; emitter-appended) ---
"""Pipeline reference for scband-spiking-neuron-30580167147909 (READ-ONLY COPY).

The authoritative reference and input builder live on the scoring server;
editing this copy changes nothing except your own understanding.
"""

import jax, jax.numpy as jnp
import numpy as np

N_NEURONS = 10_000_000
REFRACTORY_PERIOD = 2


def setup_inputs(seed: int = 0) -> dict:
    key = jax.random.key(seed)
    spikes = jax.random.randint(key, (N_NEURONS,), 0, 2).astype(jnp.bool_)
    # registered buffer, initialized to zeros exactly as in the torch module
    refractory_count = jnp.zeros((N_NEURONS,), dtype=jnp.int32)
    return {"spikes": spikes, "refractory_count": refractory_count}


def reference(spikes, refractory_count):
    # refractory_mask = self.refractory_count > 0
    refractory_mask = refractory_count > 0
    # spikes = spikes & ~refractory_mask
    spikes_out = spikes & (~refractory_mask)
    # self.refractory_count[spikes.bool()] = self.refractory_period  (scatter-overwrite via boolean mask)
    new_count = jnp.where(spikes_out, jnp.int32(REFRACTORY_PERIOD), refractory_count)
    # self.refractory_count = torch.clamp(self.refractory_count - 1, min=0)
    new_count = jnp.clip(new_count - 1, 0)
    return spikes_out, new_count

if __name__ == "__main__":
    import jax
    _d = setup_inputs()
    print(jax.jit(kernel)(*tuple(_d.values())))

</pallas_src>

<mosaic_0001>
#map = affine_map<(d0, d1) -> (0)>
module attributes {stable_mosaic.version = 14 : i64} {
  func.func @_widen_counts_sc(%arg0: i32, %arg1: i32, %arg2: memref<2500000xi32, #tpu.memory_space<hbm>>, %arg3: memref<10000000xi32, #tpu.memory_space<hbm>>, %arg4: memref<2000xi32, #tpu.memory_space<vmem>>, %arg5: memref<8000xi32, #tpu.memory_space<vmem>>) attributes {dimension_semantics = [#tpu.dimension_semantics<core_parallel>, #tpu.dimension_semantics<subcore_parallel>], iteration_bounds = array<i64: 2, 16>, scalar_prefetch = 0 : i64, scratch_operands = 2 : i64, tpu.core_type = #tpu.core_type<sc_vector_subcore>, window_params = [{transform_indices = #map}, {transform_indices = #map}]} {
    %mul3A = arith.constant 2 : i32
    %mul3A_0 = arith.muli %arg1, %mul3A : i32
    %add3A = arith.addi %mul3A_0, %arg0 : i32
    %iota3A = tpu.iota {dimensions = array<i32: 0>} : vector<16xi32>
    %mul3A_1 = arith.constant 4 : i32
    %mul3A_2 = vector.broadcast %mul3A_1 : i32 to vector<16xi32>
    %mul3A_3 = arith.muli %iota3A, %mul3A_2 : vector<16xi32>
    %scan3A = arith.constant 0 : i32
    %scan3A_4 = arith.constant 0 : i32
    %scan3A_5 = arith.constant 40 : i32
    %scan3A_6 = arith.addi %scan3A_4, %scan3A_5 : i32
    %scan3A_7 = arith.constant 1 : i32
    scf.for %scan3A_9 = %scan3A_4 to %scan3A_6 step %scan3A_7  : i32 {
      %mul3A_10 = arith.constant 32 : i32
      %mul3A_11 = arith.muli %mul3A_10, %scan3A_9 : i32
      %add3A_12 = arith.addi %add3A, %mul3A_11 : i32
      %lt3A = arith.constant 1250 : i32
      %lt3A_13 = arith.cmpi slt, %add3A_12, %lt3A : i32
      %convert_element_type3A = arith.extui %lt3A_13 : i1 to i32
      %cond3A = arith.constant 0 : i32
      %cond3A_14 = arith.cmpi ne, %convert_element_type3A, %cond3A : i32
      scf.if %cond3A_14 {
        %mul3A_15 = arith.constant 2000 : i32
        %mul3A_16 = arith.muli %add3A_12, %mul3A_15 : i32
        "tpu.region"() ({
          %run_scoped3A = tpu.sem_alloc : memref<!tpu.dma_semaphore, #tpu.memory_space<semaphore_mem>>
          %dma_start3A = tpu.memref_slice %arg2[%mul3A_16] : memref<2500000xi32, #tpu.memory_space<hbm>> -> memref<2000xi32, #tpu.memory_space<hbm>>
          %dma_start3A_25 = tpu.memref_slice %arg2[%mul3A_16] : memref<2500000xi32, #tpu.memory_space<hbm>> -> memref<2000xi32, #tpu.memory_space<hbm>>
          tpu.enqueue_dma source(%dma_start3A_25 : memref<2000xi32, #tpu.memory_space<hbm>>) target(%arg4 : memref<2000xi32, #tpu.memory_space<vmem>>) target_semaphore(%run_scoped3A : memref<!tpu.dma_semaphore, #tpu.memory_space<semaphore_mem>>)
          %dma_wait3A = tpu.memref_slice %arg2[%mul3A_16] : memref<2500000xi32, #tpu.memory_space<hbm>> -> memref<2000xi32, #tpu.memory_space<hbm>>
          %dma_wait3A_26 = tpu.memref_slice %arg2[%mul3A_16] : memref<2500000xi32, #tpu.memory_space<hbm>> -> memref<2000xi32, #tpu.memory_space<hbm>>
          tpu.wait_dma2 semaphore(%run_scoped3A : memref<!tpu.dma_semaphore, #tpu.memory_space<semaphore_mem>>) src(%dma_wait3A_26 : memref<2000xi32, #tpu.memory_space<hbm>>) dst(%arg4 : memref<2000xi32, #tpu.memory_space<vmem>>)
          tpu.yield
        }) : () -> ()
        %scan3A_17 = arith.constant 0 : i32
        %scan3A_18 = arith.constant 0 : i32
        %scan3A_19 = arith.constant 125 : i32
        %scan3A_20 = arith.addi %scan3A_18, %scan3A_19 : i32
        %scan3A_21 = arith.constant 1 : i32
        scf.for %scan3A_25 = %scan3A_18 to %scan3A_20 step %scan3A_21  : i32 {
          %mul3A_26 = arith.constant 16 : i32
          %mul3A_27 = arith.muli %scan3A_25, %mul3A_26 : i32
          %get3A = arith.index_cast %mul3A_27 : i32 to index
          %get3A_28 = tpu.vector_load %arg4[%get3A] {strides = array<i32>} : memref<2000xi32, #tpu.memory_space<vmem>>, vector<16xi32>,
          %mul3A_29 = arith.constant 64 : i32
          %mul3A_30 = arith.muli %scan3A_25, %mul3A_29 : i32
          %add3A_31 = vector.broadcast %mul3A_30 : i32 to vector<16xi32>
          %add3A_32 = arith.addi %mul3A_3, %add3A_31 : vector<16xi32>
          %add3A_33 = arith.constant 0 : i32
          %add3A_34 = vector.broadcast %add3A_33 : i32 to vector<16xi32>
          %add3A_35 = arith.addi %add3A_32, %add3A_34 : vector<16xi32>
          %shift_right_arithmetic3A = arith.constant 0 : i32
          %shift_right_arithmetic3A_36 = vector.broadcast %shift_right_arithmetic3A : i32 to vector<16xi32>
          %shift_right_arithmetic3A_37 = arith.shrsi %get3A_28, %shift_right_arithmetic3A_36 : vector<16xi32>
          %and3A = arith.constant 1 : i32
          %and3A_38 = vector.broadcast %and3A : i32 to vector<16xi32>
          %and3A_39 = arith.andi %shift_right_arithmetic3A_37, %and3A_38 : vector<16xi32>
          tpu.vector_store_idx %arg5[%add3A_35], %and3A_39 : memref<8000xi32, #tpu.memory_space<vmem>>[vector<16xi32>], vector<16xi32>,
          %add3A_40 = arith.constant 1 : i32
          %add3A_41 = vector.broadcast %add3A_40 : i32 to vector<16xi32>
          %add3A_42 = arith.addi %add3A_32, %add3A_41 : vector<16xi32>
          %shift_right_arithmetic3A_43 = arith.constant 8 : i32
          %shift_right_arithmetic3A_44 = vector.broadcast %shift_right_arithmetic3A_43 : i32 to vector<16xi32>
          %shift_right_arithmetic3A_45 = arith.shrsi %get3A_28, %shift_right_arithmetic3A_44 : vector<16xi32>
          %and3A_46 = arith.constant 1 : i32
          %and3A_47 = vector.broadcast %and3A_46 : i32 to vector<16xi32>
          %and3A_48 = arith.andi %shift_right_arithmetic3A_45, %and3A_47 : vector<16xi32>
          tpu.vector_store_idx %arg5[%add3A_42], %and3A_48 : memref<8000xi32, #tpu.memory_space<vmem>>[vector<16xi32>], vector<16xi32>,
          %add3A_49 = arith.constant 2 : i32
          %add3A_50 = vector.broadcast %add3A_49 : i32 to vector<16xi32>
          %add3A_51 = arith.addi %add3A_32, %add3A_50 : vector<16xi32>
          %shift_right_arithmetic3A_52 = arith.constant 16 : i32
          %shift_right_arithmetic3A_53 = vector.broadcast %shift_right_arithmetic3A_52 : i32 to vector<16xi32>
          %shift_right_arithmetic3A_54 = arith.shrsi %get3A_28, %shift_right_arithmetic3A_53 : vector<16xi32>
          %and3A_55 = arith.constant 1 : i32
          %and3A_56 = vector.broadcast %and3A_55 : i32 to vector<16xi32>
          %and3A_57 = arith.andi %shift_right_arithmetic3A_54, %and3A_56 : vector<16xi32>
          tpu.vector_store_idx %arg5[%add3A_51], %and3A_57 : memref<8000xi32, #tpu.memory_space<vmem>>[vector<16xi32>], vector<16xi32>,
          %add3A_58 = arith.constant 3 : i32
          %add3A_59 = vector.broadcast %add3A_58 : i32 to vector<16xi32>
          %add3A_60 = arith.addi %add3A_32, %add3A_59 : vector<16xi32>
          %shift_right_arithmetic3A_61 = arith.constant 24 : i32
          %shift_right_arithmetic3A_62 = vector.broadcast %shift_right_arithmetic3A_61 : i32 to vector<16xi32>
          %shift_right_arithmetic3A_63 = arith.shrsi %get3A_28, %shift_right_arithmetic3A_62 : vector<16xi32>
          %and3A_64 = arith.constant 1 : i32
          %and3A_65 = vector.broadcast %and3A_64 : i32 to vector<16xi32>
          %and3A_66 = arith.andi %shift_right_arithmetic3A_63, %and3A_65 : vector<16xi32>
          tpu.vector_store_idx %arg5[%add3A_60], %and3A_66 : memref<8000xi32, #tpu.memory_space<vmem>>[vector<16xi32>], vector<16xi32>,
        }
        %scan3A_22 = arith.constant 125 : i32
        %mul3A_23 = arith.constant 8000 : i32
        %mul3A_24 = arith.muli %add3A_12, %mul3A_23 : i32
        "tpu.region"() ({
          %run_scoped3A = tpu.sem_alloc : memref<!tpu.dma_semaphore, #tpu.memory_space<semaphore_mem>>
          %dma_start3A = tpu.memref_slice %arg3[%mul3A_24] : memref<10000000xi32, #tpu.memory_space<hbm>> -> memref<8000xi32, #tpu.memory_space<hbm>>
          %dma_start3A_25 = tpu.memref_slice %arg3[%mul3A_24] : memref<10000000xi32, #tpu.memory_space<hbm>> -> memref<8000xi32, #tpu.memory_space<hbm>>
          tpu.enqueue_dma source(%arg5 : memref<8000xi32, #tpu.memory_space<vmem>>) target(%dma_start3A_25 : memref<8000xi32, #tpu.memory_space<hbm>>) target_semaphore(%run_scoped3A : memref<!tpu.dma_semaphore, #tpu.memory_space<semaphore_mem>>)
          %dma_wait3A = tpu.memref_slice %arg3[%mul3A_24] : memref<10000000xi32, #tpu.memory_space<hbm>> -> memref<8000xi32, #tpu.memory_space<hbm>>
          %dma_wait3A_26 = tpu.memref_slice %arg3[%mul3A_24] : memref<10000000xi32, #tpu.memory_space<hbm>> -> memref<8000xi32, #tpu.memory_space<hbm>>
          tpu.wait_dma2 semaphore(%run_scoped3A : memref<!tpu.dma_semaphore, #tpu.memory_space<semaphore_mem>>) src(%arg5 : memref<8000xi32, #tpu.memory_space<vmem>>) dst(%dma_wait3A_26 : memref<8000xi32, #tpu.memory_space<hbm>>)
          tpu.yield
        }) : () -> ()
      } else {
      }
    }
    %scan3A_8 = arith.constant 40 : i32
    return
  }
}

</mosaic_0001>

<sc_bundles>
// kernel: kernel.3.cloned.1.call-start
scs
__scs_entry_jumppad:
0x0: {  	(pc) =	sbr.rel $0x88, $3  }
0x1: {  	(tag) =	ssettag $0x0;
	lr =	simm.s32 $0x1  }
0x2: {  	[smem:$0x3FA0] =	sst lr;
	_ =	strace $0xD0000000  }
0x3: {  	_ = 	snop  }
0x4: {  	_ = 	snop  }
0x5: {  	_ = 	snop  }
0x6: {  	_ = 	snop  }
0x7: {  	_ = 	snop  }
__scs_overlays_trampoline_lowered:
0x8: {  	[smem:$0x3FAF] =	sst s0  }
0x9: {  	[smem:$0x3FB0] =	sst s1  }
0xa: {  	[smem:$0x3FB1] =	sst s2  }
0xb: {  	[smem:$0x3FB2] =	sst s3  }
0xc: {  	[smem:$0x3FB3] =	sst s4  }
0xd: {  	[smem:$0x3FB4] =	sst s5  }
0xe: {  	[smem:$0x3FB5] =	sst s6  }
0xf: {  	[smem:$0x3FB6] =	sst s7  }
0x10: {  	[smem:$0x3FB7] =	sst s8  }
0x11: {  	[smem:$0x3FB8] =	sst s9;
	s0 =	simm.s32 @!p0 $0x0  }
0x12: {  	s1 =	sld [smem:$0x3F9E];
	s0 =	simm.s32 @p0 $0x1  }
0x13: {  	[smem:$0x3FB9] =	sst s0;
	s0 =	simm.s32 @!p1 $0x0  }
0x14: {  	s2 =	sld [smem:$0x3F9D];
	s0 =	simm.s32 @p1 $0x1  }
0x15: {  	[smem:$0x3FBA] =	sst s0;
	s0 =	simm.s32 @!p2 $0x0  }
0x16: {  	s3 =	sld [smem:$0x3FDB];
	s0 =	simm.s32 @p2 $0x1  }
0x17: {  	s4 =	simm.s32 $0x1BF5;
	[smem:$0x3FBC] =	sst s0  }
0x18: {  	s0 =	sld [smem:$0x3F9F];
	_ =	swait.ge [sflag:s4], $0x0  }
0x19: {  	s7 =	sld [smem:$0x3FA0]  }
0x1a: {  	s8 =	sadd.s32 $0xFFFFE003, lr  }
0x1b: {  	s9 =	sadd.s32 $0xFFFFFEF7, lr;
	s5 =	simm.s32 $0xFFFFFFFF;
	p2 =	slt.u32 s8, $0xFFFFF086  }
0x1c: {  	p1 =	slt.u32 s9, $0xF7A;
	s5 =	simm.s32 @!p2 $0x0  }
0x1d: {  	s5 =	simm.s32 @p1 $0x1;
	p0 =	seq.s32 s7, s2  }
0x1e: {  	s7 =	smul.u32 @!p0 $0xF7A, s2;
	p2 =	seq.s32 @!p0 s5, $0x0  }
0x1f: {  	s9 =	smul.u32 $0xF7A, s1;
	s8 =	simm.s32 @!p0 $0x1BF5;
	p2 =	por !p2, p0  }
0x20: {  	[sflag:s8] =	ssyncset.s32 @!p0 $0xFFFFF086;
	s6 =	sadd.s32 @!p0 s3, s7;
	s7 =	simm.s32 @!p0 $0x108  }
0x21: {  	s3 =	sadd.s32 s3, s9;
	s6 =	sadd.s32 @!p0 $0x88, s6;
	s7 =	simm.s32 @p2 $0x1082  }
0x22: {  	[simem:s7], [sflag:s8] =	dma.local @!p0 [hbm:s6], $0xF7A  }
0x23: {  	s9 =	sor.u32 $0xD0000000, s2;
	s6 =	simm.s32 $0x108;
	_ =	swait.ge @!p0 [sflag:s8], $0x0  }
0x24: {  	s3 =	sadd.s32 $0x88, s3;
	s6 =	simm.s32 @!p1 $0x1082;
	[sflag:s4] =	ssyncset.s32 $0xFFFFF086  }
0x25: {  	[simem:s6], [sflag:s4] =	dma.local [hbm:s3], $0xF7A  }
0x26: {  	[smem:$0x3FA0] =	sst s1;
	(tag) =	ssettag s2;
	_ =	strace s9  }
0x27: {  	s1 =	sld [smem:$0x3FB0]  }
0x28: {  	s2 =	sld [smem:$0x3FB1]  }
0x29: {  	s4 =	sld [smem:$0x3FB3]  }
0x2a: {  	p0 =	seq.s32 s5, $0x0;
	s5 =	sld [smem:$0x3FB4]  }
0x2b: {  	s6 =	sld [smem:$0x3FB5]  }
0x2c: {  	s7 =	sld [smem:$0x3FB6]  }
0x2d: {  	s3 =	simm.s32 $0x108;
	s8 =	sld [smem:$0x3FB7]  }
0x2e: {  	s3 =	simm.s32 @!p0 $0x1082;
	s9 =	sld [smem:$0x3FB8]  }
0x2f: {  	lr =	sadd.s32 s0, s3;
	s0 =	sld [smem:$0x3FAF]  }
0x30: {  	s3 =	sld [smem:$0x3FB2]  }
0x31: {  	[smem:$0x3FBB] =	sst s10  }
0x32: {  	s10 =	sld [smem:$0x3FB9];
	_ =	sdelay $0x3  }
0x33: {  	p0 =	seq.s32 s10, $0x1;
	s10 =	sld [smem:$0x3FBB];
	_ =	sdelay $0x3  }
0x34: {  	[smem:$0x3FBB] =	sst s10  }
0x35: {  	s10 =	sld [smem:$0x3FBA];
	_ =	sdelay $0x3  }
0x36: {  	p1 =	seq.s32 s10, $0x1;
	s10 =	sld [smem:$0x3FBB];
	_ =	sdelay $0x3  }
0x37: {  	[smem:$0x3FBB] =	sst s10  }
0x38: {  	s10 =	sld [smem:$0x3FBC]  }
0x39: {  	_ = 	snop;
	(pc) =	sbr.ind lr, $3  }
0x3a: {  	_ = 	snop  }
0x3b: {  	_ = 	snop  }
0x3c: {  	p2 =	seq.s32 s10, $0x1;
	s10 =	sld [smem:$0x3FBB]  }
0x3d: {  	_ =	shalt  }
0x3e: {  	_ =	shalt  }
0x3f: {  	_ =	shalt  }
0x40: {  	_ =	shalt  }
0x41: {  	_ =	shalt  }
0x42: {  	_ =	shalt  }
0x43: {  	_ =	shalt  }
0x44: {  	_ =	shalt  }
0x45: {  	_ =	shalt  }
0x46: {  	_ =	shalt  }
0x47: {  	_ =	shalt  }
0x48: {  	_ =	shalt  }
0x49: {  	_ =	shalt  }
0x4a: {  	_ =	shalt  }
0x4b: {  	_ =	shalt  }
0x4c: {  	_ =	shalt  }
0x4d: {  	_ =	shalt  }
0x4e: {  	_ =	shalt  }
0x4f: {  	_ =	shalt  }
0x50: {  	_ =	shalt  }
0x51: {  	_ =	shalt  }
0x52: {  	_ =	shalt  }
0x53: {  	_ =	shalt  }
0x54: {  	_ =	shalt  }
0x55: {  	_ =	shalt  }
0x56: {  	_ =	shalt  }
0x57: {  	_ =	shalt  }
0x58: {  	_ =	shalt  }
0x59: {  	_ =	shalt  }
0x5a: {  	_ =	shalt  }
0x5b: {  	_ =	shalt  }
0x5c: {  	_ =	shalt  }
0x5d: {  	_ =	shalt  }
0x5e: {  	_ =	shalt  }
0x5f: {  	_ =	shalt  }
0x60: {  	_ =	shalt  }
0x61: {  	_ =	shalt  }
0x62: {  	_ =	shalt  }
0x63: {  	_ =	shalt  }
0x64: {  	_ =	shalt  }
0x65: {  	_ =	shalt  }
0x66: {  	_ =	shalt  }
0x67: {  	_ =	shalt  }
0x68: {  	_ =	shalt  }
0x69: {  	_ =	shalt  }
0x6a: {  	_ =	shalt  }
0x6b: {  	_ =	shalt  }
0x6c: {  	_ =	shalt  }
0x6d: {  	_ =	shalt  }
0x6e: {  	_ =	shalt  }
0x6f: {  	_ =	shalt  }
0x70: {  	_ =	shalt  }
0x71: {  	_ =	shalt  }
0x72: {  	_ =	shalt  }
0x73: {  	_ =	shalt  }
0x74: {  	_ =	shalt  }
0x75: {  	_ =	shalt  }
0x76: {  	_ =	shalt  }
0x77: {  	_ =	shalt  }
0x78: {  	_ =	shalt  }
0x79: {  	_ =	shalt  }
0x7a: {  	_ =	shalt  }
0x7b: {  	_ =	shalt  }
0x7c: {  	_ =	shalt  }
0x7d: {  	_ =	shalt  }
0x7e: {  	_ =	shalt  }
0x7f: {  	_ =	shalt  }
0x80: {  	_ =	shalt  }
0x81: {  	_ =	shalt  }
0x82: {  	_ =	shalt  }
0x83: {  	_ =	shalt  }
0x84: {  	_ =	shalt  }
0x85: {  	_ =	shalt  }
0x86: {  	_ =	shalt  }
0x87: {  	_ =	shalt  }
.Lfunc_end0:
.L_simem_size_0:
called_computation_lowered:
.L_overlay_start_0:
0x88: {  	s2 =	sld [smem:$0x3FD9]  }
0x89: {  	s3 =	sld [smem:$0x3FFE];
	_ =	sdelay $0x1  }
0x8a: {  	s1 =	srdreg.scid  }
0x8b: {  	s0 =	sand.u32 $0x1, s1  }
0x8c: {  	s14 =	sshll.u32 s0, $0xA;
	s2 =	sadd.s32 s3, s2  }
0x8d: {  	s2 =	sadd.s32 s2, s14  }
0x8e: {  	[smem:$0x3FC7] =	sst s2  }
0x8f: {  	_ = 	snop  }
0x90: {  	s2 =	sld [smem:$0x3FD0];
	_ =	sdelay $0x2  }
0x91: {  	s15 =	simm.s32 $0xA;
	s4 =	simm.s32 $0x10  }
0x92: {  	[smem:s4], [sflag:s15] =	dma.local [hbm:s2], $0x1  }
0x93: {  	_ =	swait.eq [sflag:s15], $0x1  }
0x94: {  	[sflag:s15] =	ssyncset.done $0x0  }
0x95: {  	[sflag:s15] =	ssyncadd.s32 $0xFFFFFFFF  }
0x96: {  	s16 =	sld [smem:$0x11];
	(tm) =	ssettm $0x1  }
0x97: {  	s17 =	sld [smem:$0x3FFB];
	_ =	sdelay $0x3  }
0x98: {  	_ =	strace s17  }
0x99: {  	s3 =	sld [smem:$0x3FFC];
	_ =	sdelay $0x3  }
0x9a: {  	_ =	strace s3  }
0x9b: {  	s3 =	sld [smem:$0x3FFD];
	_ =	sdelay $0x3  }
0x9c: {  	_ =	strace s3  }
0x9d: {  	_ =	strace $0x8FFFFFFF  }
0x9e: {  	s18 =	sld [smem:$0x3FDB];
	_ =	sdelay $0x1  }
0x9f: {  	s19 =	simm.s32 $_scs_section_size  }
0xa0: {  	s5 =	simm.s32 $_size__tile_overlayer_lowered;
	s6 =	simm.s32 $_tile_overlayer_lowered  }
0xa1: {  	s22 =	simm.s32 $0x1BFF;
	s21 =	sshll.u32 s6, $0x1;
	s3 =	sadd.s32 s19, s18  }
0xa2: {  	s7 =	simm.s32 $0x0;
	s20 =	sshll.u32 s5, $0x1;
	s5 =	sadd.s32 s21, s3  }
0xa3: {  	[timem:s7], [sflag:s22] =	dma.local [hbm:s5], s20  }
0xa4: {  	_ =	swait.ge [sflag:s22], s20  }
0xa5: {  	s4 =	ssub.s32 $0x0, s20;
	[sflag:s22] =	ssyncset.done $0x0  }
0xa6: {  	[sflag:s22] =	ssyncadd.s32 s4;
	_ =	sdelay $0x1  }
0xa7: {  	s23 =	simm.s32 $0x1B8B  }
0xa8: {  	_ =	swait.ge [sflag:s23], $0x1  }
0xa9: {  	[sflag:s23] =	ssyncset.done $0x0  }
0xaa: {  	s25 =	simm.s32 $0x1B8E;
	s24 =	sld [smem:$0x3FFE];
	[sflag:s23] =	ssyncadd.s32 $0xFFFFFFFF  }
0xab: {  	s26 =	simm.s32 $execute0_lowered;
	[smem:$0x3FD2] =	sst s25  }
0xac: {  	s5 =	sshll.u32 s26, $0x1;
	_ =	strace $0x80000046;
	[dreg:$0x1] =	wrdreg $0xFFFFFFFF  }
0xad: {  	s28 =	simm.s32 $_size_execute0_lowered;
	s3 =	sadd.s32 s3, s5;
	[dreg:$0x0] =	wrdreg $0x0  }
0xae: {  	s5 =	sshll.u32 s28, $0x1;
	[dreg:$0x2] =	wrdreg s3  }
0xaf: {  	[dreg:$0x3] =	wrdreg s5  }
0xb0: {  	[dreg:$0x4] =	wrdreg $0xC0  }
0xb1: {  	_ =	task [dreg:s7], $0x5FFFF  }
0xb2: {  	[dreg:$0x1] =	wrdreg $0xFFFFFFFF  }
0xb3: {  	[dreg:$0x0] =	wrdreg $0x60  }
0xb4: {  	[dreg:$0x2] =	wrdreg s24  }
0xb5: {  	[dreg:$0x3] =	wrdreg s16  }
0xb6: {  	[dreg:$0x4] =	wrdreg $0x9  }
0xb7: {  	_ =	task.clear_ibuf [dreg:s7], $0x5FFFF;
	_ =	strace $0x90000046  }
0xb8: {  	s29 =	simm.s32 $0x9;
	_ =	strace $0x80000048  }
0xb9: {  	_ =	swait.ge [sflag:s29], $0x1  }
0xba: {  	[sflag:s29] =	ssyncadd.s32 $0xFFFFFFFF  }
0xbb: {  	_ =	strace $0x90000048  }
0xbc: {  	_ =	sfence  }
0xbd: {  	s30 =	sld [smem:$0x0];
	_ =	sdelay $0x2  }
0xbe: {  	s31 =	sshll.u32 s1, $0xD;
	s1 =	sshrl.u32 s1, $0x2  }
0xbf: {  	s3 =	sand.u32 $0x4000, s31;
	s1 =	sadd.s32 s1, s30  }
0xc0: {  	s0 =	sor.u32 s3, s0;
	s1 =	sshll.u32 s1, $0x11  }
0xc1: {  	s0 =	sor.u32 s1, s0  }
0xc2: {  	s0 =	sadd.s32 $0x8F2B, s0  }
0xc3: {  	[sflag:s0] =	ssyncadd.remote.s32 $0x1  }
0xc4: {  	_ =	sfence.sel $0xFFFF  }
0xc5: {  	[dreg:$0x0] =	wrdreg $0xFFFFFFFF;
	(pc) =	sbr.abs _section_cstart, $3  }
0xc6: {  	[dreg:$0x1] =	wrdreg $0xFFFFFFFF  }
0xc7: {  	_ =	task.clear_ibuf [dreg:s7], $0x2FFFF;
	_ =	strace $0x9FFFFFFF  }
0xc8: {  	(tm) =	ssettm $0x7FFFFFFF  }
0xc9: {  	_ =	shalt  }
tec
execute0_lowered:
.L_overlay_start_1:
0x0: {  	(tag) =	ssettag $0x1  }
0x1: {  	s4 =	rddreg [dreg:$0x0]  }
0x2: {  	s1 =	rddreg [dreg:$0x1]  }
0x3: {  	s3 =	srdreg.scid;
	s0 =	rddreg [dreg:$0x2];
	s2 =	simm.s32 $0x0  }
.Ltmp0:
0x4: {  	s8 =	simm.s32 $0x2;
	s3 =	sand.u32 $0x1, s3;
	(pc) =	sbr.rel .LBB2_1-.Ltmp0, $4  }
0x5: {  	v0 =	vlaneseq.u32;
	s9 =	simm.s32 $0x800;
	s10 =	simm.s32 $0x1;
	s6 =	ssub.s32 $0x2, s3  }
0x6: {  	s11 =	simm.s32 $0x0;
	[smem:$0x7FF] =	sst s2;
	v0 =	vmul.u32 $0x4, v0;
	s7 =	sshrl.u32 s6, $0x1  }
0x7: {  	s5 =	sadd.s32 $0xC00, s4;
	s4 =	stileid.u32;
	s7 =	ssub.s32 s6, s7  }
0x8: {  	_ =	strace $0x80000047;
	v1 =	vor.u32 $0x1, v0;
	v2 =	vor.u32 $0x2, v0;
	v3 =	vor.u32 $0x3, v0;
	s6 =	sshll.u32 s4, $0x1;
	s7 =	smax.u32 s7, $0x1  }
.LBB2_7:
0x9: {  	s11 =	sadd.s32 $0x1, s11  }
0xa: {  	p0 =	sne.s32 s11, s7  }
.Ltmp1:
0xb: {  	_ = 	snop;
	(pc) =	sbr.rel @!p0 .LBB2_8-.Ltmp1, $1  }
0xc: {  	_ =	sdelay $0x3  }
.LBB2_1:
.Ltmp2:
0xd: {  	(pc) =	sbr.rel .LBB2_2-.Ltmp2, $2  }
0xe: {  	_ =	sdelay $0x2  }
0xf: {  	s12 =	simm.s32 $0x0  }
.LBB2_6:
0x10: {  	s12 =	sadd.s32 $0x1, s12  }
0x11: {  	p0 =	sne.s32 s12, $0x28  }
.Ltmp3:
0x12: {  	_ = 	snop;
	(pc) =	sbr.rel @!p0 .LBB2_7-.Ltmp3, $1  }
0x13: {  	_ =	sdelay $0x3  }
.LBB2_2:
0x14: {  	s13 =	sshll.u32 s12, $0x5  }
0x15: {  	s13 =	sor.u32 s6, s13  }
0x16: {  	p0 =	sgt.u32 s13, $0x4E1  }
.Ltmp4:
0x17: {  	_ = 	snop;
	(pc) =	sbr.rel @p0 .LBB2_6-.Ltmp4, $1  }
0x18: {  	_ =	sdelay $0x3  }
0x19: {  	s13 =	sor.u32 s3, s13  }
0x1a: {  	s14 =	smul.u32 $0xFA, s13;
	_ =	sdelay $0x1  }
0x1b: {  	s16 =	simm.s32 $0x0;
	s14 =	sadd.s32 s5, s14  }
0x1c: {  	[tilespmem:s16], [sflag:$0x2] =	stream.linear.gather [hbm4b:s14+s16], $0x7D0, $0x38;
	[tilespmem:$0x2780] =	vst v63  }
0x1d: {  	_ =	swait.ge [sflag:s8], $0x7D0  }
0x1e: {  	[sflag:s8] =	ssyncset.done $0x0  }
0x1f: {  	s31 =	simm.s32 $0x0;
	[sflag:s8] =	ssyncadd.s32 $0xFFFFF830  }
0x20: {  	v4 =	vld [tilespmem:s31+$0x0];
	_ =	sdelay $0x1  }
0x21: {  	v5 =	vor.u32 s16, v0  }
0x22: {  	v6 =	vor.u32 s16, v1  }
0x23: {  	v7 =	vor.u32 s16, v2  }
0x24: {  	v8 =	vand.u32 $0x1, v4;
	v9 =	vshrl.u32 v4, $0x8  }
0x25: {  	v10 =	vshrl.u32 v4, $0x10;
	v63 =	vshrl.u32 v4, $0x18;
	v4 =	vor.u32 s16, v3  }
0x26: {  	[tilespmem:v5+s9+$0x0] =	vst.idx.msk $0xffff, v8;
	v5 =	vand.u32 $0x1, v9  }
0x27: {  	[tilespmem:v6+s9+$0x0] =	vst.idx.msk $0xffff, v5;
	v5 =	vand.u32 $0x1, v10  }
0x28: {  	s15 =	simm.s32 $0x80;
	s14 =	simm.s32 $0x40;
	[tilespmem:v7+s9+$0x0] =	vst.idx.msk $0xffff, v5;
	v5 =	vand.u32 $0x1, v63  }
.LBB2_4:
0x29: {  	p0 =	sne.s32 s15, $0x1F00  }
0x2a: {  	s16 =	sshra.s32 s14, $0x2;
	[tilespmem:v4+s9+$0x0] =	vst.idx.msk $0xffff, v5;
	s17 =	smov.u32 s15;
	s15 =	sadd.s32 $0x40, s15  }
0x2b: {  	v5 =	vld [tilespmem:s16+$0x0]  }
0x2c: {  	v6 =	vor.u32 s14, v0  }
0x2d: {  	v7 =	vor.u32 s14, v1  }
0x2e: {  	v8 =	vor.u32 s14, v2  }
.Ltmp5:
0x2f: {  	v4 =	vor.u32 s14, v3;
	s14 =	smov.u32 s17;
	(pc) =	sbr.rel @p0 .LBB2_4-.Ltmp5, $4  }
0x30: {  	v9 =	vand.u32 $0x1, v5;
	v10 =	vshrl.u32 v5, $0x8;
	v11 =	vshrl.u32 v5, $0x10  }
0x31: {  	v5 =	vshrl.u32 v5, $0x18;
	[tilespmem:v6+s9+$0x0] =	vst.idx.msk $0xffff, v9;
	v6 =	vand.u32 $0x1, v10  }
0x32: {  	[tilespmem:v7+s9+$0x0] =	vst.idx.msk $0xffff, v6;
	v6 =	vand.u32 $0x1, v11  }
0x33: {  	v5 =	vand.u32 $0x1, v5;
	[tilespmem:v8+s9+$0x0] =	vst.idx.msk $0xffff, v6  }
0x34: {  	_ =	sdelay $0x3  }
0x35: {  	s15 =	sshra.s32 s14, $0x2;
	[tilespmem:v4+s9+$0x0] =	vst.idx.msk $0xffff, v5  }
0x36: {  	v4 =	vld [tilespmem:s15+$0x0]  }
0x37: {  	v5 =	vor.u32 s14, v0  }
0x38: {  	v6 =	vor.u32 s14, v1  }
0x39: {  	v7 =	vor.u32 s14, v2  }
0x3a: {  	v8 =	vor.u32 s14, v3  }
0x3b: {  	v9 =	vand.u32 $0x1, v4;
	v10 =	vshrl.u32 v4, $0x8  }
0x3c: {  	v11 =	vshrl.u32 v4, $0x10;
	[tilespmem:v5+s9+$0x0] =	vst.idx.msk $0xffff, v9;
	v5 =	vand.u32 $0x1, v10  }
0x3d: {  	s13 =	smul.u32 $0x3E8, s13;
	v4 =	vshrl.u32 v4, $0x18;
	[tilespmem:v6+s9+$0x0] =	vst.idx.msk $0xffff, v5;
	v5 =	vand.u32 $0x1, v11  }
0x3e: {  	v4 =	vand.u32 $0x1, v4;
	[tilespmem:v7+s9+$0x0] =	vst.idx.msk $0xffff, v5  }
.Ltmp6:
0x3f: {  	s13 =	sadd.s32 s1, s13;
	[tilespmem:v8+s9+$0x0] =	vst.idx.msk $0xffff, v4;
	(pc) =	sbr.rel .LBB2_6-.Ltmp6, $4  }
0x40: {  	[hbm4b:s13+s2] =	stream.linear.scatter [tilespmem:s9], [sflag:$0x1], $0x1F40, $0x38;
	[tilespmem:$0x2780] =	vst v63  }
0x41: {  	_ =	swait.ge [sflag:s10], $0x1F40  }
0x42: {  	[sflag:s10] =	ssyncset.done $0x0  }
0x43: {  	[sflag:s10] =	ssyncadd.s32 $0xFFFFE0C0  }
.LBB2_8:
0x44: {  	_ =	sfence.sel $0x180000  }
0x45: {  	[bflag:$0x0] =	sbarrier.arrive $0xFFFF  }
0x46: {  	p0 =	sne.s32 s4, $0x0;
	_ =	strace $0x90000047  }
0x47: {  	s0 =	sadd.s32 @!p0 $0x100000, s0;
	[bflag:$0x2] =	sbarrier.arrive $0xFFFF  }
0x48: {  	[sflag:s0] =	ssyncadd.tile.s32 @!p0 $0x1;
	_ =	shalt  }
.Lfunc_end2:
_tile_overlayer_lowered:
.L_overlay_start_2:
0x49: {  	(tag) =	ssettag $0x2  }
0x4a: {  	s0 =	rddreg [dreg:$0x0];
	s2 =	stileid.u32  }
0x4b: {  	s1 =	rddreg [dreg:$0x1];
	p0 =	sne.s32 s2, $0x0  }
0x4c: {  	s3 =	rddreg [dreg:$0x2];
	[bflag:$0x3] =	sbarrier.arrive $0xFFFF;
	s2 =	simm.s32 @!p0 $0x1C01  }
0x4d: {  	[timem:s3], [sflag:s2] =	dma.local @!p0 [hbm:s0], s1  }
0x4e: {  	s0 =	simm.s32 @!p0 $0x1  }
0x4f: {  	_ =	swait.ge @!p0 [sflag:s0], s1  }
0x50: {  	s1 =	ssub.s32 @!p0 $0x0, s1;
	[sflag:s0] =	ssyncset.done @!p0 $0x0  }
0x51: {  	[sflag:s0] =	ssyncadd.s32 @!p0 s1  }
0x52: {  	[bflag:$0x3] =	sbarrier.arrive $0xFFFF  }
0x53: {  	_ =	shalt  }

</sc_bundles>
